<compile_context>
chip_gen: v7x
topology: tpu7x:2x2x1
jax: 0.10.2.dev20260603
libtpu: 0.0.44.dev20260713+nightly
codegen_flags: <defaults>
</compile_context>

<pallas_src>
import functools

import jax
import jax.numpy as jnp
from jax import lax
from jax.experimental import pallas as pl
from jax.experimental.pallas import tpu as pltpu
from jax.experimental.pallas import tpu_sc as plsc

NUM_SC = 2
NUM_TILES = 16
NUM_W = NUM_SC * NUM_TILES
CHUNK = 128
ZROWS = 64


def _sc_aggregate(x, src, dst, n_pad):
    n, d = x.shape
    e_pad = src.shape[0]
    ept = e_pad // NUM_W
    nchunks = ept // CHUNK
    rpt = n_pad // NUM_TILES

    mesh = plsc.VectorSubcoreMesh(core_axis_name="c", subcore_axis_name="s")

    @functools.partial(
        pl.kernel,
        out_type=(
            jax.ShapeDtypeStruct((NUM_SC, n_pad, d), jnp.float32),
            jax.ShapeDtypeStruct((NUM_SC, n_pad), jnp.float32),
        ),
        mesh=mesh,
        scratch_types=[
            pltpu.VMEM((CHUNK,), jnp.int32),
            pltpu.VMEM((CHUNK,), jnp.int32),
            pltpu.VMEM((CHUNK, d), jnp.float32),
            pltpu.VMEM((CHUNK,), jnp.float32),
            pltpu.VMEM((ZROWS, d), jnp.float32),
            pltpu.VMEM((n_pad // NUM_TILES,), jnp.float32),
            pltpu.VMEM_SHARED((n_pad, d), jnp.float32),
            pltpu.VMEM_SHARED((n_pad,), jnp.float32),
            pltpu.SemaphoreType.DMA,
        ],
    )
    def agg(x_hbm, src_hbm, dst_hbm, acc_out, cnt_out,
            src_v, dst_v, rows_v, ones_v,
            zrow_v, zcnt_v, acc_sh, cnt_sh, gsem):
        c = lax.axis_index("c")
        s = lax.axis_index("s")
        wid = s * NUM_SC + c
        row0 = s * rpt
        base0 = wid * ept

        zeros16 = jnp.zeros((16,), jnp.float32)
        ones16 = jnp.ones((16,), jnp.float32)

        def fill_zrow(r, carry):
            for j in range(d // 16):
                zrow_v[r, pl.ds(j * 16, 16)] = zeros16
            return carry
        lax.fori_loop(0, ZROWS, fill_zrow, 0)

        def fill_zcnt(i, carry):
            zcnt_v[pl.ds(i * 16, 16)] = zeros16
            return carry
        lax.fori_loop(0, rpt // 16, fill_zcnt, 0)

        for j in range(CHUNK // 16):
            ones_v[pl.ds(j * 16, 16)] = ones16

        def zero_acc(k, carry):
            pltpu.sync_copy(zrow_v, acc_sh.at[pl.ds(row0 + k * ZROWS, ZROWS)])
            return carry
        lax.fori_loop(0, rpt // ZROWS, zero_acc, 0)
        pltpu.sync_copy(zcnt_v, cnt_sh.at[pl.ds(row0, rpt)])

        plsc.subcore_barrier()

        def chunk_body(j, carry):
            base = base0 + j * CHUNK
            pltpu.sync_copy(src_hbm.at[pl.ds(base, CHUNK)], src_v)
            pltpu.sync_copy(dst_hbm.at[pl.ds(base, CHUNK)], dst_v)
            pltpu.async_copy(x_hbm.at[src_v], rows_v, gsem).wait()
            pltpu.sync_copy(rows_v, acc_sh.at[dst_v], add=True)
            pltpu.sync_copy(ones_v, cnt_sh.at[dst_v], add=True)
            return carry
        lax.fori_loop(0, nchunks, chunk_body, 0)

        plsc.subcore_barrier()

        pltpu.sync_copy(acc_sh.at[pl.ds(row0, rpt)],
                        acc_out.at[c, pl.ds(row0, rpt)])
        pltpu.sync_copy(cnt_sh.at[pl.ds(row0, rpt)],
                        cnt_out.at[c, pl.ds(row0, rpt)])

    return agg(x, src, dst)


def _tc_finish(acc, cnt, x, w_l, w_r, blk):
    n_pad, d = x.shape

    def body(acc_ref, cnt_ref, x_ref, wl_ref, wr_ref, out_ref):
        a = acc_ref[0] + acc_ref[1]
        ct = cnt_ref[0] + cnt_ref[1]
        ct = jnp.maximum(ct, 1.0)
        mean = a / ct[:, None]
        dn = (((1,), (1,)), ((), ()))
        out_ref[...] = (
            lax.dot_general(mean, wl_ref[...], dn,
                            preferred_element_type=jnp.float32)
            + lax.dot_general(x_ref[...], wr_ref[...], dn,
                              preferred_element_type=jnp.float32))

    return pl.pallas_call(
        body,
        out_shape=jax.ShapeDtypeStruct((n_pad, d), jnp.float32),
        grid=(n_pad // blk,),
        in_specs=[
            pl.BlockSpec((NUM_SC, blk, d), lambda i: (0, i, 0)),
            pl.BlockSpec((NUM_SC, blk), lambda i: (0, i)),
            pl.BlockSpec((blk, d), lambda i: (i, 0)),
            pl.BlockSpec((d, d), lambda i: (0, 0)),
            pl.BlockSpec((d, d), lambda i: (0, 0)),
        ],
        out_specs=pl.BlockSpec((blk, d), lambda i: (i, 0)),
    )(acc, cnt, x, w_l, w_r)


def kernel(x, edge_index, W_l, W_r):
    n, d = x.shape
    e = edge_index.shape[1]

    n_pad = -(-n // (NUM_TILES * ZROWS)) * (NUM_TILES * ZROWS)
    e_quant = NUM_W * CHUNK * 2
    e_pad = -(-e // e_quant) * e_quant

    src = edge_index[0]
    dst = edge_index[1]
    if e_pad != e:
        pad = e_pad - e
        src = jnp.concatenate([src, jnp.zeros((pad,), jnp.int32)])
        dst = jnp.concatenate([dst, jnp.full((pad,), n_pad - 1, jnp.int32)])

    x_pad = jnp.concatenate(
        [x, jnp.zeros((n_pad - n, d), jnp.float32)]) if n_pad != n else x

    acc, cnt = _sc_aggregate(x, src, dst, n_pad)
    out = _tc_finish(acc, cnt, x_pad, W_l, W_r, blk=1024)
    return out[:n]

# --- scband reference (transcript-rebuilt; emitter-appended) ---
"""Pipeline reference for scband-sageconv-16604343566549 (READ-ONLY COPY).

The authoritative reference and input builder live on the scoring server;
editing this copy changes nothing except your own understanding.
"""

import jax, jax.numpy as jnp
import numpy as np

N = 10000
E = 320000
D = 128

def setup_inputs(seed: int = 0) -> dict:
    key = jax.random.key(seed)
    k1, k2, k3, k4 = jax.random.split(key, 4)
    x = jax.random.normal(k1, (N, D), dtype=jnp.float32)
    edge_index = jax.random.randint(k2, (2, E), 0, N, dtype=jnp.int32)
    # PyG SAGEConv params: lin_l applied to aggregated neighbors, lin_r applied to root (bias=False)
    scale = 1.0 / np.sqrt(D)
    W_l = jax.random.uniform(k3, (D, D), dtype=jnp.float32, minval=-scale, maxval=scale)
    W_r = jax.random.uniform(k4, (D, D), dtype=jnp.float32, minval=-scale, maxval=scale)
    return {"x": x, "edge_index": edge_index, "W_l": W_l, "W_r": W_r}

def reference(x, edge_index, W_l, W_r):
    # SAGEConv with mean aggregation: out_i = W_l @ mean_{j in N(i)} x_j + W_r @ x_i
    src = edge_index[0]
    dst = edge_index[1]
    msgs = jnp.take(x, src, axis=0)                      # gather: [E, D]
    summed = jax.ops.segment_sum(msgs, dst, num_segments=N)   # scatter-add: [N, D]
    counts = jax.ops.segment_sum(jnp.ones((E,), dtype=x.dtype), dst, num_segments=N)
    counts = jnp.clip(counts, 1.0, None)[:, None]
    mean_agg = summed / counts
    out = mean_agg @ W_l.T + x @ W_r.T
    return out

if __name__ == "__main__":
    import jax
    _d = setup_inputs()
    print(jax.jit(kernel)(*tuple(_d.values())))

</pallas_src>

<mosaic_0001>
#map = affine_map<(d0, d1) -> (0, 0)>
#map1 = affine_map<(d0, d1) -> (0)>
#map2 = affine_map<(d0, d1) -> (0, 0, 0)>
module attributes {stable_mosaic.version = 14 : i64} {
  func.func @agg(%arg0: i32, %arg1: i32, %arg2: memref<10000x128xf32, #tpu.memory_space<hbm>>, %arg3: memref<327680xi32, #tpu.memory_space<hbm>>, %arg4: memref<327680xi32, #tpu.memory_space<hbm>>, %arg5: memref<2x10240x128xf32, #tpu.memory_space<hbm>>, %arg6: memref<2x10240xf32, #tpu.memory_space<hbm>>, %arg7: memref<128xi32, #tpu.memory_space<vmem>>, %arg8: memref<128xi32, #tpu.memory_space<vmem>>, %arg9: memref<128x128xf32, #tpu.memory_space<vmem>>, %arg10: memref<128xf32, #tpu.memory_space<vmem>>, %arg11: memref<64x128xf32, #tpu.memory_space<vmem>>, %arg12: memref<640xf32, #tpu.memory_space<vmem>>, %arg13: memref<10240x128xf32, #tpu.memory_space<vmem_shared>>, %arg14: memref<10240xf32, #tpu.memory_space<vmem_shared>>, %arg15: memref<!tpu.dma_semaphore, #tpu.memory_space<semaphore_mem>>) attributes {dimension_semantics = [#tpu.dimension_semantics<core_parallel>, #tpu.dimension_semantics<subcore_parallel>], iteration_bounds = array<i64: 2, 16>, scalar_prefetch = 0 : i64, scratch_operands = 9 : i64, tpu.core_type = #tpu.core_type<sc_vector_subcore>, window_params = [{transform_indices = #map}, {transform_indices = #map1}, {transform_indices = #map1}, {transform_indices = #map2}, {transform_indices = #map}]} {
    %mul3A = arith.constant 2 : i32
    %mul3A_0 = arith.muli %arg1, %mul3A : i32
    %add3A = arith.addi %mul3A_0, %arg0 : i32
    %mul3A_1 = arith.constant 640 : i32
    %mul3A_2 = arith.muli %arg1, %mul3A_1 : i32
    %mul3A_3 = arith.constant 10240 : i32
    %mul3A_4 = arith.muli %add3A, %mul3A_3 : i32
    %broadcast_in_dim3A = arith.constant 0.000000e+00 : f32
    %broadcast_in_dim3A_5 = vector.broadcast %broadcast_in_dim3A : f32 to vector<16xf32>
    %broadcast_in_dim3A_6 = arith.constant 1.000000e+00 : f32
    %broadcast_in_dim3A_7 = vector.broadcast %broadcast_in_dim3A_6 : f32 to vector<16xf32>
    %scan3A = arith.constant 0 : i32
    %scan3A_8 = arith.constant 0 : i32
    %scan3A_9 = arith.constant 64 : i32
    %scan3A_10 = arith.addi %scan3A_8, %scan3A_9 : i32
    %scan3A_11 = arith.constant 1 : i32
    scf.for %scan3A_63 = %scan3A_8 to %scan3A_10 step %scan3A_11  : i32 {
      %swap3A_64 = arith.index_cast %scan3A_63 : i32 to index
      %swap3A_65 = arith.constant 0 : index
      %swap3A_66 = tpu.vector_load %arg11[%swap3A_64, %swap3A_65] {strides = array<i32>} : memref<64x128xf32, #tpu.memory_space<vmem>>, vector<1x16xf32>,
      %swap3A_67 = vector.shape_cast %swap3A_66 : vector<1x16xf32> to vector<16xf32>
      %swap3A_68 = vector.shape_cast %broadcast_in_dim3A_5 : vector<16xf32> to vector<1x16xf32>
      tpu.vector_store %arg11[%swap3A_64, %swap3A_65], %swap3A_68 {strides = array<i32>} : memref<64x128xf32, #tpu.memory_space<vmem>>, vector<1x16xf32>,
      %swap3A_69 = arith.index_cast %scan3A_63 : i32 to index
      %swap3A_70 = arith.constant 16 : index
      %swap3A_71 = tpu.vector_load %arg11[%swap3A_69, %swap3A_70] {strides = array<i32>} : memref<64x128xf32, #tpu.memory_space<vmem>>, vector<1x16xf32>,
      %swap3A_72 = vector.shape_cast %swap3A_71 : vector<1x16xf32> to vector<16xf32>
      %swap3A_73 = vector.shape_cast %broadcast_in_dim3A_5 : vector<16xf32> to vector<1x16xf32>
      tpu.vector_store %arg11[%swap3A_69, %swap3A_70], %swap3A_73 {strides = array<i32>} : memref<64x128xf32, #tpu.memory_space<vmem>>, vector<1x16xf32>,
      %swap3A_74 = arith.index_cast %scan3A_63 : i32 to index
      %swap3A_75 = arith.constant 32 : index
      %swap3A_76 = tpu.vector_load %arg11[%swap3A_74, %swap3A_75] {strides = array<i32>} : memref<64x128xf32, #tpu.memory_space<vmem>>, vector<1x16xf32>,
      %swap3A_77 = vector.shape_cast %swap3A_76 : vector<1x16xf32> to vector<16xf32>
      %swap3A_78 = vector.shape_cast %broadcast_in_dim3A_5 : vector<16xf32> to vector<1x16xf32>
      tpu.vector_store %arg11[%swap3A_74, %swap3A_75], %swap3A_78 {strides = array<i32>} : memref<64x128xf32, #tpu.memory_space<vmem>>, vector<1x16xf32>,
      %swap3A_79 = arith.index_cast %scan3A_63 : i32 to index
      %swap3A_80 = arith.constant 48 : index
      %swap3A_81 = tpu.vector_load %arg11[%swap3A_79, %swap3A_80] {strides = array<i32>} : memref<64x128xf32, #tpu.memory_space<vmem>>, vector<1x16xf32>,
      %swap3A_82 = vector.shape_cast %swap3A_81 : vector<1x16xf32> to vector<16xf32>
      %swap3A_83 = vector.shape_cast %broadcast_in_dim3A_5 : vector<16xf32> to vector<1x16xf32>
      tpu.vector_store %arg11[%swap3A_79, %swap3A_80], %swap3A_83 {strides = array<i32>} : memref<64x128xf32, #tpu.memory_space<vmem>>, vector<1x16xf32>,
      %swap3A_84 = arith.index_cast %scan3A_63 : i32 to index
      %swap3A_85 = arith.constant 64 : index
      %swap3A_86 = tpu.vector_load %arg11[%swap3A_84, %swap3A_85] {strides = array<i32>} : memref<64x128xf32, #tpu.memory_space<vmem>>, vector<1x16xf32>,
      %swap3A_87 = vector.shape_cast %swap3A_86 : vector<1x16xf32> to vector<16xf32>
      %swap3A_88 = vector.shape_cast %broadcast_in_dim3A_5 : vector<16xf32> to vector<1x16xf32>
      tpu.vector_store %arg11[%swap3A_84, %swap3A_85], %swap3A_88 {strides = array<i32>} : memref<64x128xf32, #tpu.memory_space<vmem>>, vector<1x16xf32>,
      %swap3A_89 = arith.index_cast %scan3A_63 : i32 to index
      %swap3A_90 = arith.constant 80 : index
      %swap3A_91 = tpu.vector_load %arg11[%swap3A_89, %swap3A_90] {strides = array<i32>} : memref<64x128xf32, #tpu.memory_space<vmem>>, vector<1x16xf32>,
      %swap3A_92 = vector.shape_cast %swap3A_91 : vector<1x16xf32> to vector<16xf32>
      %swap3A_93 = vector.shape_cast %broadcast_in_dim3A_5 : vector<16xf32> to vector<1x16xf32>
      tpu.vector_store %arg11[%swap3A_89, %swap3A_90], %swap3A_93 {strides = array<i32>} : memref<64x128xf32, #tpu.memory_space<vmem>>, vector<1x16xf32>,
      %swap3A_94 = arith.index_cast %scan3A_63 : i32 to index
      %swap3A_95 = arith.constant 96 : index
      %swap3A_96 = tpu.vector_load %arg11[%swap3A_94, %swap3A_95] {strides = array<i32>} : memref<64x128xf32, #tpu.memory_space<vmem>>, vector<1x16xf32>,
      %swap3A_97 = vector.shape_cast %swap3A_96 : vector<1x16xf32> to vector<16xf32>
      %swap3A_98 = vector.shape_cast %broadcast_in_dim3A_5 : vector<16xf32> to vector<1x16xf32>
      tpu.vector_store %arg11[%swap3A_94, %swap3A_95], %swap3A_98 {strides = array<i32>} : memref<64x128xf32, #tpu.memory_space<vmem>>, vector<1x16xf32>,
      %swap3A_99 = arith.index_cast %scan3A_63 : i32 to index
      %swap3A_100 = arith.constant 112 : index
      %swap3A_101 = tpu.vector_load %arg11[%swap3A_99, %swap3A_100] {strides = array<i32>} : memref<64x128xf32, #tpu.memory_space<vmem>>, vector<1x16xf32>,
      %swap3A_102 = vector.shape_cast %swap3A_101 : vector<1x16xf32> to vector<16xf32>
      %swap3A_103 = vector.shape_cast %broadcast_in_dim3A_5 : vector<16xf32> to vector<1x16xf32>
      tpu.vector_store %arg11[%swap3A_99, %swap3A_100], %swap3A_103 {strides = array<i32>} : memref<64x128xf32, #tpu.memory_space<vmem>>, vector<1x16xf32>,
    }
    %scan3A_12 = arith.constant 64 : i32
    %scan3A_13 = arith.constant 0 : i32
    %scan3A_14 = arith.constant 0 : i32
    %scan3A_15 = arith.constant 40 : i32
    %scan3A_16 = arith.addi %scan3A_14, %scan3A_15 : i32
    %scan3A_17 = arith.constant 1 : i32
    scf.for %scan3A_63 = %scan3A_14 to %scan3A_16 step %scan3A_17  : i32 {
      %mul3A_64 = arith.constant 16 : i32
      %mul3A_65 = arith.muli %scan3A_63, %mul3A_64 : i32
      %swap3A_66 = arith.index_cast %mul3A_65 : i32 to index
      %swap3A_67 = tpu.vector_load %arg12[%swap3A_66] {strides = array<i32>} : memref<640xf32, #tpu.memory_space<vmem>>, vector<16xf32>,
      %swap3A_68 = vector.shape_cast %swap3A_67 : vector<16xf32> to vector<16xf32>
      %swap3A_69 = vector.shape_cast %broadcast_in_dim3A_5 : vector<16xf32> to vector<16xf32>
      tpu.vector_store %arg12[%swap3A_66], %swap3A_69 {strides = array<i32>} : memref<640xf32, #tpu.memory_space<vmem>>, vector<16xf32>,
    }
    %scan3A_18 = arith.constant 40 : i32
    %swap3A = arith.constant 0 : index
    %swap3A_19 = tpu.vector_load %arg10[%swap3A] {strides = array<i32>} : memref<128xf32, #tpu.memory_space<vmem>>, vector<16xf32>,
    %swap3A_20 = vector.shape_cast %swap3A_19 : vector<16xf32> to vector<16xf32>
    %swap3A_21 = vector.shape_cast %broadcast_in_dim3A_7 : vector<16xf32> to vector<16xf32>
    tpu.vector_store %arg10[%swap3A], %swap3A_21 {strides = array<i32>} : memref<128xf32, #tpu.memory_space<vmem>>, vector<16xf32>,
    %swap3A_22 = arith.constant 16 : index
    %swap3A_23 = tpu.vector_load %arg10[%swap3A_22] {strides = array<i32>} : memref<128xf32, #tpu.memory_space<vmem>>, vector<16xf32>,
    %swap3A_24 = vector.shape_cast %swap3A_23 : vector<16xf32> to vector<16xf32>
    %swap3A_25 = vector.shape_cast %broadcast_in_dim3A_7 : vector<16xf32> to vector<16xf32>
    tpu.vector_store %arg10[%swap3A_22], %swap3A_25 {strides = array<i32>} : memref<128xf32, #tpu.memory_space<vmem>>, vector<16xf32>,
    %swap3A_26 = arith.constant 32 : index
    %swap3A_27 = tpu.vector_load %arg10[%swap3A_26] {strides = array<i32>} : memref<128xf32, #tpu.memory_space<vmem>>, vector<16xf32>,
    %swap3A_28 = vector.shape_cast %swap3A_27 : vector<16xf32> to vector<16xf32>
    %swap3A_29 = vector.shape_cast %broadcast_in_dim3A_7 : vector<16xf32> to vector<16xf32>
    tpu.vector_store %arg10[%swap3A_26], %swap3A_29 {strides = array<i32>} : memref<128xf32, #tpu.memory_space<vmem>>, vector<16xf32>,
    %swap3A_30 = arith.constant 48 : index
    %swap3A_31 = tpu.vector_load %arg10[%swap3A_30] {strides = array<i32>} : memref<128xf32, #tpu.memory_space<vmem>>, vector<16xf32>,
    %swap3A_32 = vector.shape_cast %swap3A_31 : vector<16xf32> to vector<16xf32>
    %swap3A_33 = vector.shape_cast %broadcast_in_dim3A_7 : vector<16xf32> to vector<16xf32>
    tpu.vector_store %arg10[%swap3A_30], %swap3A_33 {strides = array<i32>} : memref<128xf32, #tpu.memory_space<vmem>>, vector<16xf32>,
    %swap3A_34 = arith.constant 64 : index
    %swap3A_35 = tpu.vector_load %arg10[%swap3A_34] {strides = array<i32>} : memref<128xf32, #tpu.memory_space<vmem>>, vector<16xf32>,
    %swap3A_36 = vector.shape_cast %swap3A_35 : vector<16xf32> to vector<16xf32>
    %swap3A_37 = vector.shape_cast %broadcast_in_dim3A_7 : vector<16xf32> to vector<16xf32>
    tpu.vector_store %arg10[%swap3A_34], %swap3A_37 {strides = array<i32>} : memref<128xf32, #tpu.memory_space<vmem>>, vector<16xf32>,
    %swap3A_38 = arith.constant 80 : index
    %swap3A_39 = tpu.vector_load %arg10[%swap3A_38] {strides = array<i32>} : memref<128xf32, #tpu.memory_space<vmem>>, vector<16xf32>,
    %swap3A_40 = vector.shape_cast %swap3A_39 : vector<16xf32> to vector<16xf32>
    %swap3A_41 = vector.shape_cast %broadcast_in_dim3A_7 : vector<16xf32> to vector<16xf32>
    tpu.vector_store %arg10[%swap3A_38], %swap3A_41 {strides = array<i32>} : memref<128xf32, #tpu.memory_space<vmem>>, vector<16xf32>,
    %swap3A_42 = arith.constant 96 : index
    %swap3A_43 = tpu.vector_load %arg10[%swap3A_42] {strides = array<i32>} : memref<128xf32, #tpu.memory_space<vmem>>, vector<16xf32>,
    %swap3A_44 = vector.shape_cast %swap3A_43 : vector<16xf32> to vector<16xf32>
    %swap3A_45 = vector.shape_cast %broadcast_in_dim3A_7 : vector<16xf32> to vector<16xf32>
    tpu.vector_store %arg10[%swap3A_42], %swap3A_45 {strides = array<i32>} : memref<128xf32, #tpu.memory_space<vmem>>, vector<16xf32>,
    %swap3A_46 = arith.constant 112 : index
    %swap3A_47 = tpu.vector_load %arg10[%swap3A_46] {strides = array<i32>} : memref<128xf32, #tpu.memory_space<vmem>>, vector<16xf32>,
    %swap3A_48 = vector.shape_cast %swap3A_47 : vector<16xf32> to vector<16xf32>
    %swap3A_49 = vector.shape_cast %broadcast_in_dim3A_7 : vector<16xf32> to vector<16xf32>
    tpu.vector_store %arg10[%swap3A_46], %swap3A_49 {strides = array<i32>} : memref<128xf32, #tpu.memory_space<vmem>>, vector<16xf32>,
    %scan3A_50 = arith.constant 0 : i32
    %scan3A_51 = arith.constant 0 : i32
    %scan3A_52 = arith.constant 10 : i32
    %scan3A_53 = arith.addi %scan3A_51, %scan3A_52 : i32
    %scan3A_54 = arith.constant 1 : i32
    scf.for %scan3A_63 = %scan3A_51 to %scan3A_53 step %scan3A_54  : i32 {
      %mul3A_64 = arith.constant 64 : i32
      %mul3A_65 = arith.muli %scan3A_63, %mul3A_64 : i32
      %add3A_66 = arith.addi %mul3A_2, %mul3A_65 : i32
      "tpu.region"() ({
        %run_scoped3A = tpu.sem_alloc : memref<!tpu.dma_semaphore, #tpu.memory_space<semaphore_mem>>
        %dma_start3A = arith.constant 0 : i32
        %dma_start3A_67 = tpu.memref_slice %arg13[%add3A_66, %dma_start3A] : memref<10240x128xf32, #tpu.memory_space<vmem_shared>> -> memref<64x128xf32, #tpu.memory_space<vmem_shared>>
        %dma_start3A_68 = arith.constant 0 : i32
        %dma_start3A_69 = tpu.memref_slice %arg13[%add3A_66, %dma_start3A_68] : memref<10240x128xf32, #tpu.memory_space<vmem_shared>> -> memref<64x128xf32, #tpu.memory_space<vmem_shared>>
        tpu.enqueue_dma source(%arg11 : memref<64x128xf32, #tpu.memory_space<vmem>>) target(%dma_start3A_69 : memref<64x128xf32, #tpu.memory_space<vmem_shared>>) target_semaphore(%run_scoped3A : memref<!tpu.dma_semaphore, #tpu.memory_space<semaphore_mem>>)
        %dma_wait3A = arith.constant 0 : i32
        %dma_wait3A_70 = tpu.memref_slice %arg13[%add3A_66, %dma_wait3A] : memref<10240x128xf32, #tpu.memory_space<vmem_shared>> -> memref<64x128xf32, #tpu.memory_space<vmem_shared>>
        %dma_wait3A_71 = arith.constant 0 : i32
        %dma_wait3A_72 = tpu.memref_slice %arg13[%add3A_66, %dma_wait3A_71] : memref<10240x128xf32, #tpu.memory_space<vmem_shared>> -> memref<64x128xf32, #tpu.memory_space<vmem_shared>>
        tpu.wait_dma2 semaphore(%run_scoped3A : memref<!tpu.dma_semaphore, #tpu.memory_space<semaphore_mem>>) src(%arg11 : memref<64x128xf32, #tpu.memory_space<vmem>>) dst(%dma_wait3A_72 : memref<64x128xf32, #tpu.memory_space<vmem_shared>>)
        tpu.yield
      }) : () -> ()
    }
    %scan3A_55 = arith.constant 10 : i32
    "tpu.region"() ({
      %run_scoped3A = tpu.sem_alloc : memref<!tpu.dma_semaphore, #tpu.memory_space<semaphore_mem>>
      %dma_start3A = tpu.memref_slice %arg14[%mul3A_2] : memref<10240xf32, #tpu.memory_space<vmem_shared>> -> memref<640xf32, #tpu.memory_space<vmem_shared>>
      %dma_start3A_63 = tpu.memref_slice %arg14[%mul3A_2] : memref<10240xf32, #tpu.memory_space<vmem_shared>> -> memref<640xf32, #tpu.memory_space<vmem_shared>>
      tpu.enqueue_dma source(%arg12 : memref<640xf32, #tpu.memory_space<vmem>>) target(%dma_start3A_63 : memref<640xf32, #tpu.memory_space<vmem_shared>>) target_semaphore(%run_scoped3A : memref<!tpu.dma_semaphore, #tpu.memory_space<semaphore_mem>>)
      %dma_wait3A = tpu.memref_slice %arg14[%mul3A_2] : memref<10240xf32, #tpu.memory_space<vmem_shared>> -> memref<640xf32, #tpu.memory_space<vmem_shared>>
      %dma_wait3A_64 = tpu.memref_slice %arg14[%mul3A_2] : memref<10240xf32, #tpu.memory_space<vmem_shared>> -> memref<640xf32, #tpu.memory_space<vmem_shared>>
      tpu.wait_dma2 semaphore(%run_scoped3A : memref<!tpu.dma_semaphore, #tpu.memory_space<semaphore_mem>>) src(%arg12 : memref<640xf32, #tpu.memory_space<vmem>>) dst(%dma_wait3A_64 : memref<640xf32, #tpu.memory_space<vmem_shared>>)
      tpu.yield
    }) : () -> ()
    %barrier3A = arith.constant 0 : index
    tpu.barrier barrier_id(%barrier3A)
    %scan3A_56 = arith.constant 0 : i32
    %scan3A_57 = arith.constant 0 : i32
    %scan3A_58 = arith.constant 80 : i32
    %scan3A_59 = arith.addi %scan3A_57, %scan3A_58 : i32
    %scan3A_60 = arith.constant 1 : i32
    scf.for %scan3A_63 = %scan3A_57 to %scan3A_59 step %scan3A_60  : i32 {
      %mul3A_64 = arith.constant 128 : i32
      %mul3A_65 = arith.muli %scan3A_63, %mul3A_64 : i32
      %add3A_66 = arith.addi %mul3A_4, %mul3A_65 : i32
      "tpu.region"() ({
        %run_scoped3A = tpu.sem_alloc : memref<!tpu.dma_semaphore, #tpu.memory_space<semaphore_mem>>
        %dma_start3A_71 = tpu.memref_slice %arg3[%add3A_66] : memref<327680xi32, #tpu.memory_space<hbm>> -> memref<128xi32, #tpu.memory_space<hbm>>
        %dma_start3A_72 = tpu.memref_slice %arg3[%add3A_66] : memref<327680xi32, #tpu.memory_space<hbm>> -> memref<128xi32, #tpu.memory_space<hbm>>
        tpu.enqueue_dma source(%dma_start3A_72 : memref<128xi32, #tpu.memory_space<hbm>>) target(%arg7 : memref<128xi32, #tpu.memory_space<vmem>>) target_semaphore(%run_scoped3A : memref<!tpu.dma_semaphore, #tpu.memory_space<semaphore_mem>>)
        %dma_wait3A_73 = tpu.memref_slice %arg3[%add3A_66] : memref<327680xi32, #tpu.memory_space<hbm>> -> memref<128xi32, #tpu.memory_space<hbm>>
        %dma_wait3A_74 = tpu.memref_slice %arg3[%add3A_66] : memref<327680xi32, #tpu.memory_space<hbm>> -> memref<128xi32, #tpu.memory_space<hbm>>
        tpu.wait_dma2 semaphore(%run_scoped3A : memref<!tpu.dma_semaphore, #tpu.memory_space<semaphore_mem>>) src(%dma_wait3A_74 : memref<128xi32, #tpu.memory_space<hbm>>) dst(%arg7 : memref<128xi32, #tpu.memory_space<vmem>>)
        tpu.yield
      }) : () -> ()
      "tpu.region"() ({
        %run_scoped3A = tpu.sem_alloc : memref<!tpu.dma_semaphore, #tpu.memory_space<semaphore_mem>>
        %dma_start3A_71 = tpu.memref_slice %arg4[%add3A_66] : memref<327680xi32, #tpu.memory_space<hbm>> -> memref<128xi32, #tpu.memory_space<hbm>>
        %dma_start3A_72 = tpu.memref_slice %arg4[%add3A_66] : memref<327680xi32, #tpu.memory_space<hbm>> -> memref<128xi32, #tpu.memory_space<hbm>>
        tpu.enqueue_dma source(%dma_start3A_72 : memref<128xi32, #tpu.memory_space<hbm>>) target(%arg8 : memref<128xi32, #tpu.memory_space<vmem>>) target_semaphore(%run_scoped3A : memref<!tpu.dma_semaphore, #tpu.memory_space<semaphore_mem>>)
        %dma_wait3A_73 = tpu.memref_slice %arg4[%add3A_66] : memref<327680xi32, #tpu.memory_space<hbm>> -> memref<128xi32, #tpu.memory_space<hbm>>
        %dma_wait3A_74 = tpu.memref_slice %arg4[%add3A_66] : memref<327680xi32, #tpu.memory_space<hbm>> -> memref<128xi32, #tpu.memory_space<hbm>>
        tpu.wait_dma2 semaphore(%run_scoped3A : memref<!tpu.dma_semaphore, #tpu.memory_space<semaphore_mem>>) src(%dma_wait3A_74 : memref<128xi32, #tpu.memory_space<hbm>>) dst(%arg8 : memref<128xi32, #tpu.memory_space<vmem>>)
        tpu.yield
      }) : () -> ()
      %dma_start3A = arith.constant 0 : i32
      %dma_start3A_67 = arith.constant 0 : i32
      %dma_start3A_68 = tpu.memref_slice %arg2[%dma_start3A, %dma_start3A_67] : memref<10000x128xf32, #tpu.memory_space<hbm>> -> memref<10000x128xf32, #tpu.memory_space<hbm>>
      tpu.enqueue_indirect_dma source(%dma_start3A_68 : memref<10000x128xf32, #tpu.memory_space<hbm>>) target(%arg9 : memref<128x128xf32, #tpu.memory_space<vmem>>) offsets(%arg7 : memref<128xi32, #tpu.memory_space<vmem>>) semaphore(%arg15 : memref<!tpu.dma_semaphore, #tpu.memory_space<semaphore_mem>>)
      %dma_wait3A = arith.constant 0 : i32
      %dma_wait3A_69 = arith.constant 0 : i32
      %dma_wait3A_70 = tpu.memref_slice %arg2[%dma_wait3A, %dma_wait3A_69] : memref<10000x128xf32, #tpu.memory_space<hbm>> -> memref<10000x128xf32, #tpu.memory_space<hbm>>
      tpu.wait_indirect_dma semaphore(%arg15 : memref<!tpu.dma_semaphore, #tpu.memory_space<semaphore_mem>>) src(%dma_wait3A_70 : memref<10000x128xf32, #tpu.memory_space<hbm>>) dst(%arg9 : memref<128x128xf32, #tpu.memory_space<vmem>>)
      "tpu.region"() ({
        %run_scoped3A = tpu.sem_alloc : memref<!tpu.dma_semaphore, #tpu.memory_space<semaphore_mem>>
        %dma_start3A_71 = arith.constant 0 : i32
        %dma_start3A_72 = arith.constant 0 : i32
        %dma_start3A_73 = tpu.memref_slice %arg13[%dma_start3A_71, %dma_start3A_72] : memref<10240x128xf32, #tpu.memory_space<vmem_shared>> -> memref<10240x128xf32, #tpu.memory_space<vmem_shared>>
        tpu.enqueue_indirect_dma source(%arg9 : memref<128x128xf32, #tpu.memory_space<vmem>>) target(%dma_start3A_73 : memref<10240x128xf32, #tpu.memory_space<vmem_shared>>) offsets(%arg8 : memref<128xi32, #tpu.memory_space<vmem>>) semaphore(%run_scoped3A : memref<!tpu.dma_semaphore, #tpu.memory_space<semaphore_mem>>) {add = true}
        %dma_wait3A_74 = arith.constant 0 : i32
        %dma_wait3A_75 = arith.constant 0 : i32
        %dma_wait3A_76 = tpu.memref_slice %arg13[%dma_wait3A_74, %dma_wait3A_75] : memref<10240x128xf32, #tpu.memory_space<vmem_shared>> -> memref<10240x128xf32, #tpu.memory_space<vmem_shared>>
        tpu.wait_indirect_dma semaphore(%run_scoped3A : memref<!tpu.dma_semaphore, #tpu.memory_space<semaphore_mem>>) src(%arg9 : memref<128x128xf32, #tpu.memory_space<vmem>>) dst(%dma_wait3A_76 : memref<10240x128xf32, #tpu.memory_space<vmem_shared>>)
        tpu.yield
      }) : () -> ()
      "tpu.region"() ({
        %run_scoped3A = tpu.sem_alloc : memref<!tpu.dma_semaphore, #tpu.memory_space<semaphore_mem>>
        %dma_start3A_71 = arith.constant 0 : i32
        %dma_start3A_72 = tpu.memref_slice %arg14[%dma_start3A_71] : memref<10240xf32, #tpu.memory_space<vmem_shared>> -> memref<10240xf32, #tpu.memory_space<vmem_shared>>
        tpu.enqueue_indirect_dma source(%arg10 : memref<128xf32, #tpu.memory_space<vmem>>) target(%dma_start3A_72 : memref<10240xf32, #tpu.memory_space<vmem_shared>>) offsets(%arg8 : memref<128xi32, #tpu.memory_space<vmem>>) semaphore(%run_scoped3A : memref<!tpu.dma_semaphore, #tpu.memory_space<semaphore_mem>>) {add = true}
        %dma_wait3A_73 = arith.constant 0 : i32
        %dma_wait3A_74 = tpu.memref_slice %arg14[%dma_wait3A_73] : memref<10240xf32, #tpu.memory_space<vmem_shared>> -> memref<10240xf32, #tpu.memory_space<vmem_shared>>
        tpu.wait_indirect_dma semaphore(%run_scoped3A : memref<!tpu.dma_semaphore, #tpu.memory_space<semaphore_mem>>) src(%arg10 : memref<128xf32, #tpu.memory_space<vmem>>) dst(%dma_wait3A_74 : memref<10240xf32, #tpu.memory_space<vmem_shared>>)
        tpu.yield
      }) : () -> ()
    }
    %scan3A_61 = arith.constant 80 : i32
    %barrier3A_62 = arith.constant 0 : index
    tpu.barrier barrier_id(%barrier3A_62)
    "tpu.region"() ({
      %run_scoped3A = tpu.sem_alloc : memref<!tpu.dma_semaphore, #tpu.memory_space<semaphore_mem>>
      %dma_start3A = arith.constant 0 : i32
      %dma_start3A_63 = tpu.memref_slice %arg5[%arg0, %mul3A_2, %dma_start3A] : memref<2x10240x128xf32, #tpu.memory_space<hbm>> -> memref<1x640x128xf32, #tpu.memory_space<hbm>>
      %dma_start3A_64 = tpu.memref_squeeze %dma_start3A_63 : memref<1x640x128xf32, #tpu.memory_space<hbm>> -> memref<640x128xf32, #tpu.memory_space<hbm>>
      %dma_start3A_65 = arith.constant 0 : i32
      %dma_start3A_66 = tpu.memref_slice %arg13[%mul3A_2, %dma_start3A_65] : memref<10240x128xf32, #tpu.memory_space<vmem_shared>> -> memref<640x128xf32, #tpu.memory_space<vmem_shared>>
      tpu.enqueue_dma source(%dma_start3A_66 : memref<640x128xf32, #tpu.memory_space<vmem_shared>>) target(%dma_start3A_64 : memref<640x128xf32, #tpu.memory_space<hbm>>) target_semaphore(%run_scoped3A : memref<!tpu.dma_semaphore, #tpu.memory_space<semaphore_mem>>)
      %dma_wait3A = arith.constant 0 : i32
      %dma_wait3A_67 = tpu.memref_slice %arg5[%arg0, %mul3A_2, %dma_wait3A] : memref<2x10240x128xf32, #tpu.memory_space<hbm>> -> memref<1x640x128xf32, #tpu.memory_space<hbm>>
      %dma_wait3A_68 = tpu.memref_squeeze %dma_wait3A_67 : memref<1x640x128xf32, #tpu.memory_space<hbm>> -> memref<640x128xf32, #tpu.memory_space<hbm>>
      %dma_wait3A_69 = arith.constant 0 : i32
      %dma_wait3A_70 = tpu.memref_slice %arg13[%mul3A_2, %dma_wait3A_69] : memref<10240x128xf32, #tpu.memory_space<vmem_shared>> -> memref<640x128xf32, #tpu.memory_space<vmem_shared>>
      tpu.wait_dma2 semaphore(%run_scoped3A : memref<!tpu.dma_semaphore, #tpu.memory_space<semaphore_mem>>) src(%dma_wait3A_70 : memref<640x128xf32, #tpu.memory_space<vmem_shared>>) dst(%dma_wait3A_68 : memref<640x128xf32, #tpu.memory_space<hbm>>)
      tpu.yield
    }) : () -> ()
    "tpu.region"() ({
      %run_scoped3A = tpu.sem_alloc : memref<!tpu.dma_semaphore, #tpu.memory_space<semaphore_mem>>
      %dma_start3A = tpu.memref_slice %arg6[%arg0, %mul3A_2] : memref<2x10240xf32, #tpu.memory_space<hbm>> -> memref<1x640xf32, #tpu.memory_space<hbm>>
      %dma_start3A_63 = tpu.memref_squeeze %dma_start3A : memref<1x640xf32, #tpu.memory_space<hbm>> -> memref<640xf32, #tpu.memory_space<hbm>>
      %dma_start3A_64 = tpu.memref_slice %arg14[%mul3A_2] : memref<10240xf32, #tpu.memory_space<vmem_shared>> -> memref<640xf32, #tpu.memory_space<vmem_shared>>
      tpu.enqueue_dma source(%dma_start3A_64 : memref<640xf32, #tpu.memory_space<vmem_shared>>) target(%dma_start3A_63 : memref<640xf32, #tpu.memory_space<hbm>>) target_semaphore(%run_scoped3A : memref<!tpu.dma_semaphore, #tpu.memory_space<semaphore_mem>>)
      %dma_wait3A = tpu.memref_slice %arg6[%arg0, %mul3A_2] : memref<2x10240xf32, #tpu.memory_space<hbm>> -> memref<1x640xf32, #tpu.memory_space<hbm>>
      %dma_wait3A_65 = tpu.memref_squeeze %dma_wait3A : memref<1x640xf32, #tpu.memory_space<hbm>> -> memref<640xf32, #tpu.memory_space<hbm>>
      %dma_wait3A_66 = tpu.memref_slice %arg14[%mul3A_2] : memref<10240xf32, #tpu.memory_space<vmem_shared>> -> memref<640xf32, #tpu.memory_space<vmem_shared>>
      tpu.wait_dma2 semaphore(%run_scoped3A : memref<!tpu.dma_semaphore, #tpu.memory_space<semaphore_mem>>) src(%dma_wait3A_66 : memref<640xf32, #tpu.memory_space<vmem_shared>>) dst(%dma_wait3A_65 : memref<640xf32, #tpu.memory_space<hbm>>)
      tpu.yield
    }) : () -> ()
    return
  }
}

module attributes {stable_mosaic.version = 14 : i64} {
  func.func @body(%arg0: i32, %arg1: memref<2x1024x128xf32, #tpu.memory_space<vmem>>, %arg2: memref<2x1024xf32, #tpu.memory_space<vmem>>, %arg3: memref<1024x128xf32, #tpu.memory_space<vmem>>, %arg4: memref<128x128xf32, #tpu.memory_space<vmem>>, %arg5: memref<128x128xf32, #tpu.memory_space<vmem>>, %arg6: memref<1024x128xf32, #tpu.memory_space<vmem>>) attributes {dimension_semantics = [#tpu.dimension_semantics<arbitrary>], iteration_bounds = array<i64: 10>, scalar_prefetch = 0 : i64, scratch_operands = 0 : i64, tpu.core_type = #tpu.core_type<tc>, window_params = [{transform_indices = @transform_0, window_bounds = array<i64: 2, 1024, 128>}, {transform_indices = @transform_1, window_bounds = array<i64: 2, 1024>}, {transform_indices = @transform_2, window_bounds = array<i64: 1024, 128>}, {pipeline_mode = #tpu.pipeline_mode<synchronous>, transform_indices = @transform_3, window_bounds = array<i64: 128, 128>}, {pipeline_mode = #tpu.pipeline_mode<synchronous>, transform_indices = @transform_4, window_bounds = array<i64: 128, 128>}, {transform_indices = @transform_5, window_bounds = array<i64: 1024, 128>}]} {
    %get3A = arith.constant 0 : index
    %get3A_0 = arith.constant 0 : index
    %get3A_1 = arith.constant 0 : index
    %get3A_2 = vector.load %arg1[%get3A, %get3A_0, %get3A_1] : memref<2x1024x128xf32, #tpu.memory_space<vmem>>, vector<1x1024x128xf32>
    %get3A_3 = vector.shape_cast %get3A_2 : vector<1x1024x128xf32> to vector<1024x128xf32>
    %get3A_4 = arith.constant 1 : index
    %get3A_5 = arith.constant 0 : index
    %get3A_6 = arith.constant 0 : index
    %get3A_7 = vector.load %arg1[%get3A_4, %get3A_5, %get3A_6] : memref<2x1024x128xf32, #tpu.memory_space<vmem>>, vector<1x1024x128xf32>
    %get3A_8 = vector.shape_cast %get3A_7 : vector<1x1024x128xf32> to vector<1024x128xf32>
    %add3A = arith.addf %get3A_3, %get3A_8 : vector<1024x128xf32>
    %get3A_9 = arith.constant 0 : index
    %get3A_10 = arith.constant 0 : index
    %get3A_11 = vector.load %arg2[%get3A_9, %get3A_10] : memref<2x1024xf32, #tpu.memory_space<vmem>>, vector<1x1024xf32>
    %get3A_12 = vector.shape_cast %get3A_11 : vector<1x1024xf32> to vector<1024xf32>
    %get3A_13 = arith.constant 1 : index
    %get3A_14 = arith.constant 0 : index
    %get3A_15 = vector.load %arg2[%get3A_13, %get3A_14] : memref<2x1024xf32, #tpu.memory_space<vmem>>, vector<1x1024xf32>
    %get3A_16 = vector.shape_cast %get3A_15 : vector<1x1024xf32> to vector<1024xf32>
    %add3A_17 = arith.addf %get3A_12, %get3A_16 : vector<1024xf32>
    %max3A = arith.constant 1.000000e+00 : f32
    %max3A_18 = vector.broadcast %max3A : f32 to vector<1024xf32>
    %max3A_19 = arith.maximumf %add3A_17, %max3A_18 : vector<1024xf32>
    %broadcast_in_dim3A = vector.shape_cast %max3A_19 : vector<1024xf32> to vector<1024x1xf32>
    %div3A = vector.broadcast %broadcast_in_dim3A : vector<1024x1xf32> to vector<1024x128xf32>
    %div3A_20 = arith.divf %add3A, %div3A : vector<1024x128xf32>
    %get3A_21 = arith.constant 0 : index
    %get3A_22 = arith.constant 0 : index
    %get3A_23 = vector.load %arg4[%get3A_21, %get3A_22] : memref<128x128xf32, #tpu.memory_space<vmem>>, vector<128x128xf32>
    %dot_general3A = arith.constant dense<0.000000e+00> : vector<1024x128xf32>
    %dot_general3A_24 = tpu.matmul %div3A_20, %get3A_23, %dot_general3A {dimension_numbers = #tpu.dot_dimension_numbers<[1], [1], [0], [0], [0, 0, 1, 0], [], []>, transpose_lhs_hint = false} : vector<1024x128xf32>, vector<128x128xf32>, vector<1024x128xf32> -> vector<1024x128xf32>
    %get3A_25 = arith.constant 0 : index
    %get3A_26 = arith.constant 0 : index
    %get3A_27 = vector.load %arg3[%get3A_25, %get3A_26] : memref<1024x128xf32, #tpu.memory_space<vmem>>, vector<1024x128xf32>
    %get3A_28 = arith.constant 0 : index
    %get3A_29 = arith.constant 0 : index
    %get3A_30 = vector.load %arg5[%get3A_28, %get3A_29] : memref<128x128xf32, #tpu.memory_space<vmem>>, vector<128x128xf32>
    %dot_general3A_31 = arith.constant dense<0.000000e+00> : vector<1024x128xf32>
    %dot_general3A_32 = tpu.matmul %get3A_27, %get3A_30, %dot_general3A_31 {dimension_numbers = #tpu.dot_dimension_numbers<[1], [1], [0], [0], [0, 0, 1, 0], [], []>, transpose_lhs_hint = false} : vector<1024x128xf32>, vector<128x128xf32>, vector<1024x128xf32> -> vector<1024x128xf32>
    %add3A_33 = arith.addf %dot_general3A_24, %dot_general3A_32 : vector<1024x128xf32>
    %swap3A = arith.constant 0 : index
    %swap3A_34 = arith.constant 0 : index
    %swap3A_35 = vector.load %arg6[%swap3A, %swap3A_34] : memref<1024x128xf32, #tpu.memory_space<vmem>>, vector<1024x128xf32>
    tpu.vector_store %arg6[%swap3A, %swap3A_34], %add3A_33 {strides = array<i32>} : memref<1024x128xf32, #tpu.memory_space<vmem>>, vector<1024x128xf32>,
    return
  }
  func.func @transform_0(%arg0: i32) -> (i32, i32, i32) {
    %c0_i32 = arith.constant 0 : i32
    %c0_i32_0 = arith.constant 0 : i32
    %c0_i32_1 = arith.constant 0 : i32
    return %c0_i32, %arg0, %c0_i32_0 : i32, i32, i32
  }
  func.func @transform_1(%arg0: i32) -> (i32, i32) {
    %c0_i32 = arith.constant 0 : i32
    %c0_i32_0 = arith.constant 0 : i32
    return %c0_i32, %arg0 : i32, i32
  }
  func.func @transform_2(%arg0: i32) -> (i32, i32) {
    %c0_i32 = arith.constant 0 : i32
    %c0_i32_0 = arith.constant 0 : i32
    return %arg0, %c0_i32 : i32, i32
  }
  func.func @transform_3(%arg0: i32) -> (i32, i32) {
    %c0_i32 = arith.constant 0 : i32
    %c0_i32_0 = arith.constant 0 : i32
    %c0_i32_1 = arith.constant 0 : i32
    return %c0_i32, %c0_i32_0 : i32, i32
  }
  func.func @transform_4(%arg0: i32) -> (i32, i32) {
    %c0_i32 = arith.constant 0 : i32
    %c0_i32_0 = arith.constant 0 : i32
    %c0_i32_1 = arith.constant 0 : i32
    return %c0_i32, %c0_i32_0 : i32, i32
  }
  func.func @transform_5(%arg0: i32) -> (i32, i32) {
    %c0_i32 = arith.constant 0 : i32
    %c0_i32_0 = arith.constant 0 : i32
    return %arg0, %c0_i32 : i32, i32
  }
}

</mosaic_0001>

<sc_bundles>
// kernel: kernel.4.cloned.1.call-start
scs
__scs_entry_jumppad:
0x0: {  	(pc) =	sbr.rel $0x88, $3  }
0x1: {  	(tag) =	ssettag $0x0;
	lr =	simm.s32 $0x1  }
0x2: {  	[smem:$0x3F9D] =	sst lr;
	_ =	strace $0xD0000000  }
0x3: {  	_ = 	snop  }
0x4: {  	_ = 	snop  }
0x5: {  	_ = 	snop  }
0x6: {  	_ = 	snop  }
0x7: {  	_ = 	snop  }
__scs_overlays_trampoline_lowered:
0x8: {  	[smem:$0x3FAC] =	sst s0  }
0x9: {  	[smem:$0x3FAD] =	sst s1  }
0xa: {  	[smem:$0x3FAE] =	sst s2  }
0xb: {  	[smem:$0x3FAF] =	sst s3  }
0xc: {  	[smem:$0x3FB0] =	sst s4  }
0xd: {  	[smem:$0x3FB1] =	sst s5  }
0xe: {  	[smem:$0x3FB2] =	sst s6  }
0xf: {  	[smem:$0x3FB3] =	sst s7  }
0x10: {  	[smem:$0x3FB4] =	sst s8  }
0x11: {  	[smem:$0x3FB5] =	sst s9;
	s0 =	simm.s32 @!p0 $0x0  }
0x12: {  	s1 =	sld [smem:$0x3F9B];
	s0 =	simm.s32 @p0 $0x1  }
0x13: {  	[smem:$0x3FB6] =	sst s0;
	s0 =	simm.s32 @!p1 $0x0  }
0x14: {  	s2 =	sld [smem:$0x3F9A];
	s0 =	simm.s32 @p1 $0x1  }
0x15: {  	[smem:$0x3FB7] =	sst s0;
	s0 =	simm.s32 @!p2 $0x0  }
0x16: {  	s3 =	sld [smem:$0x3FDB];
	s0 =	simm.s32 @p2 $0x1  }
0x17: {  	s4 =	simm.s32 $0x1BF5;
	[smem:$0x3FB9] =	sst s0  }
0x18: {  	s0 =	sld [smem:$0x3F9C];
	_ =	swait.ge [sflag:s4], $0x0  }
0x19: {  	s7 =	sld [smem:$0x3F9D]  }
0x1a: {  	s8 =	sadd.s32 $0xFFFFE003, lr  }
0x1b: {  	s9 =	sadd.s32 $0xFFFFFEF7, lr;
	s5 =	simm.s32 $0xFFFFFFFF;
	p2 =	slt.u32 s8, $0xFFFFF086  }
0x1c: {  	p1 =	slt.u32 s9, $0xF7A;
	s5 =	simm.s32 @!p2 $0x0  }
0x1d: {  	s5 =	simm.s32 @p1 $0x1;
	p0 =	seq.s32 s7, s2  }
0x1e: {  	s7 =	smul.u32 @!p0 $0xF7A, s2;
	p2 =	seq.s32 @!p0 s5, $0x0  }
0x1f: {  	s9 =	smul.u32 $0xF7A, s1;
	s8 =	simm.s32 @!p0 $0x1BF5;
	p2 =	por !p2, p0  }
0x20: {  	[sflag:s8] =	ssyncset.s32 @!p0 $0xFFFFF086;
	s6 =	sadd.s32 @!p0 s3, s7;
	s7 =	simm.s32 @!p0 $0x108  }
0x21: {  	s3 =	sadd.s32 s3, s9;
	s6 =	sadd.s32 @!p0 $0x88, s6;
	s7 =	simm.s32 @p2 $0x1082  }
0x22: {  	[simem:s7], [sflag:s8] =	dma.local @!p0 [hbm:s6], $0xF7A  }
0x23: {  	s9 =	sor.u32 $0xD0000000, s2;
	s6 =	simm.s32 $0x108;
	_ =	swait.ge @!p0 [sflag:s8], $0x0  }
0x24: {  	s3 =	sadd.s32 $0x88, s3;
	s6 =	simm.s32 @!p1 $0x1082;
	[sflag:s4] =	ssyncset.s32 $0xFFFFF086  }
0x25: {  	[simem:s6], [sflag:s4] =	dma.local [hbm:s3], $0xF7A  }
0x26: {  	[smem:$0x3F9D] =	sst s1;
	(tag) =	ssettag s2;
	_ =	strace s9  }
0x27: {  	s1 =	sld [smem:$0x3FAD]  }
0x28: {  	s2 =	sld [smem:$0x3FAE]  }
0x29: {  	s4 =	sld [smem:$0x3FB0]  }
0x2a: {  	p0 =	seq.s32 s5, $0x0;
	s5 =	sld [smem:$0x3FB1]  }
0x2b: {  	s6 =	sld [smem:$0x3FB2]  }
0x2c: {  	s7 =	sld [smem:$0x3FB3]  }
0x2d: {  	s3 =	simm.s32 $0x108;
	s8 =	sld [smem:$0x3FB4]  }
0x2e: {  	s3 =	simm.s32 @!p0 $0x1082;
	s9 =	sld [smem:$0x3FB5]  }
0x2f: {  	lr =	sadd.s32 s0, s3;
	s0 =	sld [smem:$0x3FAC]  }
0x30: {  	s3 =	sld [smem:$0x3FAF]  }
0x31: {  	[smem:$0x3FB8] =	sst s10  }
0x32: {  	s10 =	sld [smem:$0x3FB6];
	_ =	sdelay $0x3  }
0x33: {  	p0 =	seq.s32 s10, $0x1;
	s10 =	sld [smem:$0x3FB8];
	_ =	sdelay $0x3  }
0x34: {  	[smem:$0x3FB8] =	sst s10  }
0x35: {  	s10 =	sld [smem:$0x3FB7];
	_ =	sdelay $0x3  }
0x36: {  	p1 =	seq.s32 s10, $0x1;
	s10 =	sld [smem:$0x3FB8];
	_ =	sdelay $0x3  }
0x37: {  	[smem:$0x3FB8] =	sst s10  }
0x38: {  	s10 =	sld [smem:$0x3FB9]  }
0x39: {  	_ = 	snop;
	(pc) =	sbr.ind lr, $3  }
0x3a: {  	_ = 	snop  }
0x3b: {  	_ = 	snop  }
0x3c: {  	p2 =	seq.s32 s10, $0x1;
	s10 =	sld [smem:$0x3FB8]  }
0x3d: {  	_ =	shalt  }
0x3e: {  	_ =	shalt  }
0x3f: {  	_ =	shalt  }
0x40: {  	_ =	shalt  }
0x41: {  	_ =	shalt  }
0x42: {  	_ =	shalt  }
0x43: {  	_ =	shalt  }
0x44: {  	_ =	shalt  }
0x45: {  	_ =	shalt  }
0x46: {  	_ =	shalt  }
0x47: {  	_ =	shalt  }
0x48: {  	_ =	shalt  }
0x49: {  	_ =	shalt  }
0x4a: {  	_ =	shalt  }
0x4b: {  	_ =	shalt  }
0x4c: {  	_ =	shalt  }
0x4d: {  	_ =	shalt  }
0x4e: {  	_ =	shalt  }
0x4f: {  	_ =	shalt  }
0x50: {  	_ =	shalt  }
0x51: {  	_ =	shalt  }
0x52: {  	_ =	shalt  }
0x53: {  	_ =	shalt  }
0x54: {  	_ =	shalt  }
0x55: {  	_ =	shalt  }
0x56: {  	_ =	shalt  }
0x57: {  	_ =	shalt  }
0x58: {  	_ =	shalt  }
0x59: {  	_ =	shalt  }
0x5a: {  	_ =	shalt  }
0x5b: {  	_ =	shalt  }
0x5c: {  	_ =	shalt  }
0x5d: {  	_ =	shalt  }
0x5e: {  	_ =	shalt  }
0x5f: {  	_ =	shalt  }
0x60: {  	_ =	shalt  }
0x61: {  	_ =	shalt  }
0x62: {  	_ =	shalt  }
0x63: {  	_ =	shalt  }
0x64: {  	_ =	shalt  }
0x65: {  	_ =	shalt  }
0x66: {  	_ =	shalt  }
0x67: {  	_ =	shalt  }
0x68: {  	_ =	shalt  }
0x69: {  	_ =	shalt  }
0x6a: {  	_ =	shalt  }
0x6b: {  	_ =	shalt  }
0x6c: {  	_ =	shalt  }
0x6d: {  	_ =	shalt  }
0x6e: {  	_ =	shalt  }
0x6f: {  	_ =	shalt  }
0x70: {  	_ =	shalt  }
0x71: {  	_ =	shalt  }
0x72: {  	_ =	shalt  }
0x73: {  	_ =	shalt  }
0x74: {  	_ =	shalt  }
0x75: {  	_ =	shalt  }
0x76: {  	_ =	shalt  }
0x77: {  	_ =	shalt  }
0x78: {  	_ =	shalt  }
0x79: {  	_ =	shalt  }
0x7a: {  	_ =	shalt  }
0x7b: {  	_ =	shalt  }
0x7c: {  	_ =	shalt  }
0x7d: {  	_ =	shalt  }
0x7e: {  	_ =	shalt  }
0x7f: {  	_ =	shalt  }
0x80: {  	_ =	shalt  }
0x81: {  	_ =	shalt  }
0x82: {  	_ =	shalt  }
0x83: {  	_ =	shalt  }
0x84: {  	_ =	shalt  }
0x85: {  	_ =	shalt  }
0x86: {  	_ =	shalt  }
0x87: {  	_ =	shalt  }
.Lfunc_end0:
.L_simem_size_0:
called_computation_lowered:
.L_overlay_start_0:
0x88: {  	s2 =	sld [smem:$0x3FD9]  }
0x89: {  	s3 =	sld [smem:$0x3FFE];
	_ =	sdelay $0x1  }
0x8a: {  	s1 =	srdreg.scid  }
0x8b: {  	s0 =	sand.u32 $0x1, s1  }
0x8c: {  	s17 =	sshll.u32 s0, $0xA;
	s2 =	sadd.s32 s3, s2  }
0x8d: {  	s2 =	sadd.s32 s2, s17  }
0x8e: {  	[smem:$0x3FC4] =	sst s2  }
0x8f: {  	_ = 	snop  }
0x90: {  	s2 =	sld [smem:$0x3FC9]  }
0x91: {  	s18 =	sld [smem:$0x3FD0];
	(tm) =	ssettm $0x1  }
0x92: {  	s4 =	sld [smem:$0x3FFB];
	_ =	sdelay $0x3  }
0x93: {  	_ =	strace s4  }
0x94: {  	s4 =	sld [smem:$0x3FFC];
	_ =	sdelay $0x3  }
0x95: {  	_ =	strace s4  }
0x96: {  	s4 =	sld [smem:$0x3FFD];
	_ =	sdelay $0x3  }
0x97: {  	_ =	strace s4  }
0x98: {  	_ =	strace $0x8FFFFFFF  }
0x99: {  	s19 =	sld [smem:$0x3FDB];
	_ =	sdelay $0x1  }
0x9a: {  	s5 =	simm.s32 $_scs_section_size  }
0x9b: {  	s6 =	simm.s32 $_size__tile_overlayer_lowered;
	s7 =	simm.s32 $_tile_overlayer_lowered  }
0x9c: {  	s22 =	simm.s32 $0x1BFF;
	s21 =	sshll.u32 s7, $0x1;
	s4 =	sadd.s32 s5, s19  }
0x9d: {  	s8 =	simm.s32 $0x0;
	s20 =	sshll.u32 s6, $0x1;
	s6 =	sadd.s32 s21, s4  }
0x9e: {  	[timem:s8], [sflag:s22] =	dma.local [hbm:s6], s20  }
0x9f: {  	_ =	swait.ge [sflag:s22], s20  }
0xa0: {  	s5 =	ssub.s32 $0x0, s20;
	[sflag:s22] =	ssyncset.done $0x0  }
0xa1: {  	[sflag:s22] =	ssyncadd.s32 s5;
	_ =	sdelay $0x1  }
0xa2: {  	s23 =	simm.s32 $0x1B8B  }
0xa3: {  	_ =	swait.ge [sflag:s23], $0x1  }
0xa4: {  	[sflag:s23] =	ssyncset.done $0x0  }
0xa5: {  	s25 =	simm.s32 $0x1B8E;
	s24 =	sld [smem:$0x3FFE];
	[sflag:s23] =	ssyncadd.s32 $0xFFFFFFFF  }
0xa6: {  	s26 =	simm.s32 $execute0_lowered;
	[smem:$0x3FD2] =	sst s25  }
0xa7: {  	s6 =	sshll.u32 s26, $0x1;
	_ =	strace $0x80000046;
	[dreg:$0x1] =	wrdreg $0xFFFFFFFF  }
0xa8: {  	s28 =	simm.s32 $_size_execute0_lowered;
	s4 =	sadd.s32 s4, s6;
	[dreg:$0x0] =	wrdreg $0x0  }
0xa9: {  	s6 =	sshll.u32 s28, $0x1;
	[dreg:$0x2] =	wrdreg s4  }
0xaa: {  	[dreg:$0x3] =	wrdreg s6  }
0xab: {  	[dreg:$0x4] =	wrdreg $0xC0  }
0xac: {  	_ =	task [dreg:s8], $0x5FFFF  }
0xad: {  	[dreg:$0x1] =	wrdreg $0xFFFFFFFF  }
0xae: {  	[dreg:$0x0] =	wrdreg $0x60  }
0xaf: {  	[dreg:$0x2] =	wrdreg s2  }
0xb0: {  	[dreg:$0x3] =	wrdreg s18  }
0xb1: {  	[dreg:$0x4] =	wrdreg s24  }
0xb2: {  	[dreg:$0x5] =	wrdreg $0x64000  }
0xb3: {  	[dreg:$0x6] =	wrdreg $0x1A4000  }
0xb4: {  	[dreg:$0x7] =	wrdreg $0x9  }
0xb5: {  	_ =	task.clear_ibuf [dreg:s8], $0x8FFFF;
	_ =	strace $0x90000046  }
0xb6: {  	s29 =	simm.s32 $0x9;
	_ =	strace $0x80000048  }
0xb7: {  	_ =	swait.ge [sflag:s29], $0x1  }
0xb8: {  	[sflag:s29] =	ssyncadd.s32 $0xFFFFFFFF  }
0xb9: {  	_ =	strace $0x90000048  }
0xba: {  	_ =	sfence  }
0xbb: {  	s30 =	sld [smem:$0x0];
	_ =	sdelay $0x2  }
0xbc: {  	s31 =	sshll.u32 s1, $0xD;
	s1 =	sshrl.u32 s1, $0x2  }
0xbd: {  	s3 =	sand.u32 $0x4000, s31;
	s1 =	sadd.s32 s1, s30  }
0xbe: {  	s0 =	sor.u32 s3, s0;
	s1 =	sshll.u32 s1, $0x11  }
0xbf: {  	s0 =	sor.u32 s1, s0  }
0xc0: {  	s0 =	sadd.s32 $0x8F2B, s0  }
0xc1: {  	[sflag:s0] =	ssyncadd.remote.s32 $0x1  }
0xc2: {  	_ =	sfence.sel $0xFFFF  }
0xc3: {  	[dreg:$0x0] =	wrdreg $0xFFFFFFFF;
	(pc) =	sbr.abs _section_cstart, $3  }
0xc4: {  	[dreg:$0x1] =	wrdreg $0xFFFFFFFF  }
0xc5: {  	_ =	task.clear_ibuf [dreg:s8], $0x2FFFF;
	_ =	strace $0x9FFFFFFF  }
0xc6: {  	(tm) =	ssettm $0x7FFFFFFF  }
0xc7: {  	_ =	shalt  }
tec
execute0_lowered:
.L_overlay_start_1:
0x0: {  	(tag) =	ssettag $0x1  }
0x1: {  	s1 =	rddreg [dreg:$0x0]  }
0x2: {  	s0 =	rddreg [dreg:$0x1]  }
0x3: {  	s2 =	rddreg [dreg:$0x2];
	s10 =	stileid.u32  }
0x4: {  	s4 =	srdreg.scid;
	s20 =	smul.u32 $0xA00, s10  }
0x5: {  	s3 =	rddreg [dreg:$0x3];
	s7 =	smul.u32 $0x14000, s10  }
0x6: {  	s5 =	simm.s32 $0x0;
	s28 =	simm.s32 $0x1;
	s8 =	smul.u32 $0x500, s10  }
0x7: {  	s16 =	sand.u32 $0x1, s4;
	s4 =	rddreg [dreg:$0x4];
	s22 =	smul.u32 $0x50000, s10  }
0x8: {  	s29 =	simm.s32 $0x4100;
	[smem:$0x7FF] =	sst s5;
	s6 =	smul.u32 $0x140000, s16  }
0x9: {  	_ =	strace $0x80000047;
	s9 =	sshll.u32 s16, $0x7;
	s24 =	ssub.s32 $0x2, s16  }
0xa: {  	s31 =	smul.u32 $0x500, s16;
	s21 =	sadd.s32 s20, s2;
	s19 =	sor.u32 s9, s8  }
0xb: {  	s25 =	sshrl.u32 s24, $0x1;
	s8 =	sshrl.u32 s22, $0x2;
	s26 =	sshrl.u32 s20, $0x2  }
0xc: {  	s0 =	sadd.s32 s20, s0;
	s22 =	simm.s32 $0x4180;
	s6 =	sadd.s32 s7, s6  }
0xd: {  	s7 =	sshrl.u32 s19, $0x3;
	s11 =	ssub.s32 s24, s25;
	s21 =	sadd.s32 s31, s21  }
0xe: {  	s25 =	simm.s32 $0x80;
	s6 =	sshrl.u32 s6, $0x3;
	s10 =	smax.u32 s11, $0x1  }
0xf: {  	s20 =	sadd.s32 $0x1000, s21;
	s21 =	sadd.s32 s31, s0;
	s23 =	sadd.s32 s6, s2  }
0x10: {  	s2 =	sadd.s32 s7, s2;
	s6 =	sadd.s32 s8, s3;
	s7 =	sadd.s32 s26, s4  }
0x11: {  	s26 =	simm.s32 $0x100;
	s30 =	sadd.s32 $0xB000, s23;
	s9 =	sadd.s32 $0x5B000, s2  }
0x12: {  	s11 =	sadd.s32 $0x2000, s6;
	s12 =	sadd.s32 $0x4000, s6;
	s13 =	sadd.s32 $0x6000, s6  }
0x13: {  	s14 =	sadd.s32 $0x8000, s6;
	s15 =	sadd.s32 $0xA000, s6;
	s16 =	sadd.s32 $0xC000, s6  }
0x14: {  	s17 =	sadd.s32 $0xE000, s6;
	s18 =	sadd.s32 $0x10000, s6;
	s19 =	sadd.s32 $0x12000, s6  }
0x15: {  	v0 =	vimm.f32 $0.0e+00;
	v1 =	vimm.f32 $1.000000000e+00;
	s23 =	simm.s32 $0x2;
	s2 =	simm.s32 $0x0;
	[dreg:$0x6] =	wrdreg s30  }
.LBB2_1:
0x16: {  	s0 =	simm.s32 $0x0;
	s24 =	simm.s32 $0x200  }
.LBB2_2:
0x17: {  	p0 =	sne.s32 s24, $0x7E00;
	[tilespmem:s0+$0x41F0] =	vst v0  }
0x18: {  	[tilespmem:s0+$0x4180] =	vst v0  }
0x19: {  	[tilespmem:s0+$0x4190] =	vst v0  }
.Ltmp0:
0x1a: {  	[tilespmem:s0+$0x41A0] =	vst v0;
	(pc) =	sbr.rel @p0 .LBB2_2-.Ltmp0, $4  }
0x1b: {  	[tilespmem:s0+$0x41B0] =	vst v0  }
0x1c: {  	[tilespmem:s0+$0x41C0] =	vst v0  }
0x1d: {  	[tilespmem:s0+$0x41D0] =	vst v0  }
0x1e: {  	[tilespmem:s0+$0x41E0] =	vst v0;
	s0 =	sshra.s32 s24, $0x2;
	s24 =	sadd.s32 $0x200, s24  }
0x1f: {  	[tilespmem:s0+$0x41F0] =	vst v0  }
0x20: {  	[tilespmem:s0+$0x4180] =	vst v0  }
0x21: {  	[tilespmem:s0+$0x4190] =	vst v0  }
0x22: {  	[tilespmem:s0+$0x41A0] =	vst v0  }
0x23: {  	[tilespmem:s0+$0x41B0] =	vst v0  }
0x24: {  	[tilespmem:s0+$0x41C0] =	vst v0  }
0x25: {  	[tilespmem:s0+$0x41D0] =	vst v0  }
0x26: {  	[tilespmem:s0+$0x41E0] =	vst v0  }
0x27: {  	[tilespmem:$0x6180] =	vst v0  }
0x28: {  	[tilespmem:$0x6190] =	vst v0  }
0x29: {  	[tilespmem:$0x61A0] =	vst v0  }
0x2a: {  	[tilespmem:$0x61B0] =	vst v0  }
0x2b: {  	[tilespmem:$0x61C0] =	vst v0  }
0x2c: {  	[tilespmem:$0x61D0] =	vst v0  }
0x2d: {  	[tilespmem:$0x61E0] =	vst v0  }
0x2e: {  	[tilespmem:$0x61F0] =	vst v0  }
0x2f: {  	[tilespmem:$0x6200] =	vst v0  }
0x30: {  	[tilespmem:$0x6210] =	vst v0  }
0x31: {  	[tilespmem:$0x6220] =	vst v0  }
0x32: {  	[tilespmem:$0x6230] =	vst v0  }
0x33: {  	[tilespmem:$0x6240] =	vst v0  }
0x34: {  	[tilespmem:$0x6250] =	vst v0  }
0x35: {  	[tilespmem:$0x6260] =	vst v0  }
0x36: {  	[tilespmem:$0x6270] =	vst v0  }
0x37: {  	[tilespmem:$0x6280] =	vst v0  }
0x38: {  	[tilespmem:$0x6290] =	vst v0  }
0x39: {  	[tilespmem:$0x62A0] =	vst v0  }
0x3a: {  	[tilespmem:$0x62B0] =	vst v0  }
0x3b: {  	[tilespmem:$0x62C0] =	vst v0  }
0x3c: {  	[tilespmem:$0x62D0] =	vst v0  }
0x3d: {  	[tilespmem:$0x62E0] =	vst v0  }
0x3e: {  	[tilespmem:$0x62F0] =	vst v0  }
0x3f: {  	[tilespmem:$0x6300] =	vst v0  }
0x40: {  	[tilespmem:$0x6310] =	vst v0  }
0x41: {  	[tilespmem:$0x6320] =	vst v0  }
0x42: {  	[tilespmem:$0x6330] =	vst v0  }
0x43: {  	[tilespmem:$0x6340] =	vst v0  }
0x44: {  	[tilespmem:$0x6350] =	vst v0  }
0x45: {  	[tilespmem:$0x6360] =	vst v0  }
0x46: {  	[tilespmem:$0x6370] =	vst v0  }
0x47: {  	[tilespmem:$0x6380] =	vst v0  }
0x48: {  	[tilespmem:$0x6390] =	vst v0  }
0x49: {  	[tilespmem:$0x63A0] =	vst v0  }
0x4a: {  	[tilespmem:$0x63B0] =	vst v0  }
0x4b: {  	[tilespmem:$0x63C0] =	vst v0  }
0x4c: {  	[tilespmem:$0x63D0] =	vst v0  }
0x4d: {  	[tilespmem:$0x63E0] =	vst v0  }
0x4e: {  	[tilespmem:$0x63F0] =	vst v0  }
0x4f: {  	[tilespmem:$0x4100] =	vst v1  }
0x50: {  	[tilespmem:$0x4110] =	vst v1  }
0x51: {  	[tilespmem:$0x4120] =	vst v1  }
0x52: {  	[tilespmem:$0x4130] =	vst v1  }
0x53: {  	[tilespmem:$0x4140] =	vst v1  }
0x54: {  	[tilespmem:$0x4150] =	vst v1  }
0x55: {  	[tilespmem:$0x4160] =	vst v1  }
0x56: {  	[tilespmem:$0x4170] =	vst v1  }
0x57: {  	[spmem:s6] =	stream.linear.scatter [tilespmem:s22], [sflag:$0x2], $0x2000, $0x38;
	[tilespmem:$0x1A680] =	vst v63  }
0x58: {  	_ =	swait.ge [sflag:s23], $0x2000  }
0x59: {  	[sflag:s23] =	ssyncset.done $0x0  }
0x5a: {  	[sflag:s23] =	ssyncadd.s32 $0xFFFFE000  }
0x5b: {  	[spmem:s11] =	stream.linear.scatter [tilespmem:s22], [sflag:$0x2], $0x2000, $0x38;
	[tilespmem:$0x1A680] =	vst v63  }
0x5c: {  	_ =	swait.ge [sflag:s23], $0x2000  }
0x5d: {  	[sflag:s23] =	ssyncset.done $0x0  }
0x5e: {  	[sflag:s23] =	ssyncadd.s32 $0xFFFFE000  }
0x5f: {  	[spmem:s12] =	stream.linear.scatter [tilespmem:s22], [sflag:$0x2], $0x2000, $0x38;
	[tilespmem:$0x1A680] =	vst v63  }
0x60: {  	_ =	swait.ge [sflag:s23], $0x2000  }
0x61: {  	[sflag:s23] =	ssyncset.done $0x0  }
0x62: {  	[sflag:s23] =	ssyncadd.s32 $0xFFFFE000  }
0x63: {  	[spmem:s13] =	stream.linear.scatter [tilespmem:s22], [sflag:$0x2], $0x2000, $0x38;
	[tilespmem:$0x1A680] =	vst v63  }
0x64: {  	_ =	swait.ge [sflag:s23], $0x2000  }
0x65: {  	[sflag:s23] =	ssyncset.done $0x0  }
0x66: {  	[sflag:s23] =	ssyncadd.s32 $0xFFFFE000  }
0x67: {  	[spmem:s14] =	stream.linear.scatter [tilespmem:s22], [sflag:$0x2], $0x2000, $0x38;
	[tilespmem:$0x1A680] =	vst v63  }
0x68: {  	_ =	swait.ge [sflag:s23], $0x2000  }
0x69: {  	[sflag:s23] =	ssyncset.done $0x0  }
0x6a: {  	[sflag:s23] =	ssyncadd.s32 $0xFFFFE000  }
0x6b: {  	[spmem:s15] =	stream.linear.scatter [tilespmem:s22], [sflag:$0x2], $0x2000, $0x38;
	[tilespmem:$0x1A680] =	vst v63  }
0x6c: {  	_ =	swait.ge [sflag:s23], $0x2000  }
0x6d: {  	[sflag:s23] =	ssyncset.done $0x0  }
0x6e: {  	[sflag:s23] =	ssyncadd.s32 $0xFFFFE000  }
0x6f: {  	[spmem:s16] =	stream.linear.scatter [tilespmem:s22], [sflag:$0x2], $0x2000, $0x38;
	[tilespmem:$0x1A680] =	vst v63  }
0x70: {  	_ =	swait.ge [sflag:s23], $0x2000  }
0x71: {  	[sflag:s23] =	ssyncset.done $0x0  }
0x72: {  	[sflag:s23] =	ssyncadd.s32 $0xFFFFE000  }
0x73: {  	[spmem:s17] =	stream.linear.scatter [tilespmem:s22], [sflag:$0x2], $0x2000, $0x38;
	[tilespmem:$0x1A680] =	vst v63  }
0x74: {  	_ =	swait.ge [sflag:s23], $0x2000  }
0x75: {  	[sflag:s23] =	ssyncset.done $0x0  }
0x76: {  	[sflag:s23] =	ssyncadd.s32 $0xFFFFE000  }
0x77: {  	[spmem:s18] =	stream.linear.scatter [tilespmem:s22], [sflag:$0x2], $0x2000, $0x38;
	[tilespmem:$0x1A680] =	vst v63  }
0x78: {  	_ =	swait.ge [sflag:s23], $0x2000  }
0x79: {  	[sflag:s23] =	ssyncset.done $0x0  }
0x7a: {  	[sflag:s23] =	ssyncadd.s32 $0xFFFFE000  }
0x7b: {  	[spmem:s19] =	stream.linear.scatter [tilespmem:s22], [sflag:$0x2], $0x2000, $0x38;
	[tilespmem:$0x1A680] =	vst v63  }
0x7c: {  	_ =	swait.ge [sflag:s23], $0x2000  }
0x7d: {  	[sflag:s23] =	ssyncset.done $0x0  }
0x7e: {  	s24 =	simm.s32 $0x6180;
	[sflag:s23] =	ssyncadd.s32 $0xFFFFE000  }
0x7f: {  	[spmem:s7] =	stream.linear.scatter [tilespmem:s24], [sflag:$0x2], $0x280, $0x38;
	[tilespmem:$0x1A680] =	vst v63  }
0x80: {  	_ =	swait.ge [sflag:s23], $0x280  }
0x81: {  	[sflag:s23] =	ssyncset.done $0x0  }
0x82: {  	[sflag:s23] =	ssyncadd.s32 $0xFFFFFD80  }
0x83: {  	s30 =	sadd.s32 $0x0, s21;
	[bflag:$0x0] =	sbarrier.arrive $0xFFFF  }
0x84: {  	[tilespmem:s5], [sflag:$0x2] =	stream.linear.gather [hbm4b:s30+s5], $0x80, $0x38;
	[tilespmem:$0x1A680] =	vst v63  }
0x85: {  	_ =	swait.ge [sflag:s23], $0x80  }
0x86: {  	[sflag:s23] =	ssyncset.done $0x0  }
0x87: {  	s31 =	sadd.s32 $0x0, s20;
	[sflag:s23] =	ssyncadd.s32 $0xFFFFFF80  }
0x88: {  	[tilespmem:s25], [sflag:$0x2] =	stream.linear.gather [hbm4b:s31+s5], $0x80, $0x38;
	[tilespmem:$0x1A680] =	vst v63  }
0x89: {  	_ =	swait.ge [sflag:s23], $0x80  }
0x8a: {  	[sflag:s23] =	ssyncset.done $0x0  }
0x8b: {  	[sflag:s23] =	ssyncadd.s32 $0xFFFFFF80  }
0x8c: {  	[tilespmem:s26], [sflag:$0x1] =	stream.indirect.gather [hbm4b:s1+s25], $0x80, s5, s25, $0xb8;
	[tilespmem:$0x1A680] =	vst v63  }
0x8d: {  	_ =	swait.ge [sflag:s28], $0x4000  }
0x8e: {  	[sflag:s28] =	ssyncset.done $0x0  }
0x8f: {  	[sflag:s28] =	ssyncadd.s32 $0xFFFFC000  }
0x90: {  	[spmem:s3] =	stream.indirect.scatter.add.f32 [tilespmem:s26], [sflag:$0x2], $0x80, s25, s25, $0xb8;
	[tilespmem:$0x1A680] =	vst v63  }
0x91: {  	_ =	swait.ge [sflag:s23], $0x4000  }
0x92: {  	[sflag:s23] =	ssyncset.done $0x0  }
0x93: {  	[sflag:s23] =	ssyncadd.s32 $0xFFFFC000  }
0x94: {  	[spmem:s4] =	stream.indirect.scatter.add.f32 [tilespmem:s29], [sflag:$0x2], $0x1, s25, s25, $0xb8;
	[tilespmem:$0x1A680] =	vst v63  }
0x95: {  	_ =	swait.ge [sflag:s23], $0x80  }
0x96: {  	s0 =	simm.s32 $0x10;
	s24 =	simm.s32 $0x20;
	[sflag:s23] =	ssyncset.done $0x0  }
.LBB2_4:
0x97: {  	s30 =	sadd.s32 s0, s21  }
0x98: {  	[sflag:s23] =	ssyncadd.s32 $0xFFFFFF80;
	s31 =	smov.u32 s24;
	s8 =	sadd.s32 $0x10, s24  }
0x99: {  	[tilespmem:s5], [sflag:$0x2] =	stream.linear.gather [hbm4b:s30+s5], $0x80, $0x38;
	[tilespmem:$0x1A680] =	vst v63  }
0x9a: {  	p0 =	sne.s32 s24, $0x4F0;
	_ =	swait.ge [sflag:s23], $0x80  }
0x9b: {  	[sflag:s23] =	ssyncset.done $0x0  }
0x9c: {  	s24 =	sadd.s32 s0, s20;
	s0 =	smov.u32 s31;
	[sflag:s23] =	ssyncadd.s32 $0xFFFFFF80  }
0x9d: {  	[tilespmem:s25], [sflag:$0x2] =	stream.linear.gather [hbm4b:s24+s5], $0x80, $0x38;
	[tilespmem:$0x1A680] =	vst v63  }
0x9e: {  	_ =	swait.ge [sflag:s23], $0x80  }
0x9f: {  	[sflag:s23] =	ssyncset.done $0x0  }
0xa0: {  	[sflag:s23] =	ssyncadd.s32 $0xFFFFFF80  }
0xa1: {  	[tilespmem:s26], [sflag:$0x1] =	stream.indirect.gather [hbm4b:s1+s25], $0x80, s5, s25, $0xb8;
	[tilespmem:$0x1A680] =	vst v63  }
0xa2: {  	_ =	swait.ge [sflag:s28], $0x4000  }
0xa3: {  	[sflag:s28] =	ssyncset.done $0x0  }
0xa4: {  	[sflag:s28] =	ssyncadd.s32 $0xFFFFC000  }
0xa5: {  	[spmem:s3] =	stream.indirect.scatter.add.f32 [tilespmem:s26], [sflag:$0x2], $0x80, s25, s25, $0xb8;
	[tilespmem:$0x1A680] =	vst v63  }
0xa6: {  	_ =	swait.ge [sflag:s23], $0x4000  }
.Ltmp1:
0xa7: {  	[sflag:s23] =	ssyncset.done $0x0;
	(pc) =	sbr.rel @p0 .LBB2_4-.Ltmp1, $4  }
0xa8: {  	[sflag:s23] =	ssyncadd.s32 $0xFFFFC000  }
0xa9: {  	[spmem:s4] =	stream.indirect.scatter.add.f32 [tilespmem:s29], [sflag:$0x2], $0x1, s25, s25, $0xb8;
	[tilespmem:$0x1A680] =	vst v63  }
0xaa: {  	_ =	swait.ge [sflag:s23], $0x80  }
0xab: {  	s24 =	smov.u32 s8;
	[sflag:s23] =	ssyncset.done $0x0  }
0xac: {  	s8 =	sadd.s32 s0, s21;
	[sflag:s23] =	ssyncadd.s32 $0xFFFFFF80  }
0xad: {  	[tilespmem:s5], [sflag:$0x2] =	stream.linear.gather [hbm4b:s8+s5], $0x80, $0x38;
	[tilespmem:$0x1A680] =	vst v63  }
0xae: {  	_ =	swait.ge [sflag:s23], $0x80  }
0xaf: {  	[sflag:s23] =	ssyncset.done $0x0  }
0xb0: {  	s24 =	sadd.s32 s0, s20;
	[sflag:s23] =	ssyncadd.s32 $0xFFFFFF80  }
0xb1: {  	[tilespmem:s25], [sflag:$0x2] =	stream.linear.gather [hbm4b:s24+s5], $0x80, $0x38;
	[tilespmem:$0x1A680] =	vst v63  }
0xb2: {  	_ =	swait.ge [sflag:s23], $0x80  }
0xb3: {  	[sflag:s23] =	ssyncset.done $0x0  }
0xb4: {  	[sflag:s23] =	ssyncadd.s32 $0xFFFFFF80  }
0xb5: {  	[tilespmem:s26], [sflag:$0x1] =	stream.indirect.gather [hbm4b:s1+s25], $0x80, s5, s25, $0xb8;
	[tilespmem:$0x1A680] =	vst v63  }
0xb6: {  	_ =	swait.ge [sflag:s28], $0x4000  }
0xb7: {  	[sflag:s28] =	ssyncset.done $0x0  }
0xb8: {  	[sflag:s28] =	ssyncadd.s32 $0xFFFFC000  }
0xb9: {  	[spmem:s3] =	stream.indirect.scatter.add.f32 [tilespmem:s26], [sflag:$0x2], $0x80, s25, s25, $0xb8;
	[tilespmem:$0x1A680] =	vst v63  }
0xba: {  	_ =	swait.ge [sflag:s23], $0x4000  }
0xbb: {  	[sflag:s23] =	ssyncset.done $0x0  }
0xbc: {  	[sflag:s23] =	ssyncadd.s32 $0xFFFFC000  }
0xbd: {  	[spmem:s4] =	stream.indirect.scatter.add.f32 [tilespmem:s29], [sflag:$0x2], $0x1, s25, s25, $0xb8;
	[tilespmem:$0x1A680] =	vst v63  }
0xbe: {  	_ =	swait.ge [sflag:s23], $0x80  }
0xbf: {  	[sflag:s23] =	ssyncset.done $0x0  }
0xc0: {  	s30 =	stileid.u32;
	[sflag:s23] =	ssyncadd.s32 $0xFFFFFF80  }
0xc1: {  	s0 =	sshll.u32 s30, $0x6;
	[bflag:$0x0] =	sbarrier.arrive $0xFFFF  }
0xc2: {  	s31 =	sshrl.u32 s6, $0x3;
	s0 =	sor.u32 $0x1C02, s0;
	s24 =	rddreg [dreg:$0x6]  }
0xc3: {  	[hbm:s24], [sflag:s0] =	dma.local [spmem:s31], $0x2800  }
0xc4: {  	s2 =	sadd.s32 $0x1, s2;
	s30 =	simm.s32 $0x10;
	_ =	swait.ge [sflag:s23], $0x2800  }
0xc5: {  	p0 =	sne.s32 s2, s10;
	s24 =	sshrl.u32 s7, $0x3;
	[sflag:s23] =	ssyncset.done $0x0  }
.Ltmp2:
0xc6: {  	s31 =	simm.s32 $0x20;
	[sflag:s23] =	ssyncadd.s32 $0xFFFFD800;
	(pc) =	sbr.rel @p0 .LBB2_1-.Ltmp2, $4  }
0xc7: {  	[hbm:s9@s31], [sflag:s0] =	dma.strided [spmem:s24@s30], $0x50, s28, $0x10   }
0xc8: {  	_ =	swait.ge [sflag:s23], $0x50  }
0xc9: {  	[sflag:s23] =	ssyncset.done $0x0  }
0xca: {  	[sflag:s23] =	ssyncadd.s32 $0xFFFFFFB0  }
0xcb: {  	_ =	sfence.sel $0x180000  }
0xcc: {  	[bflag:$0x0] =	sbarrier.arrive $0xFFFF  }
0xcd: {  	_ =	strace $0x90000047  }
0xce: {  	s0 =	stileid.u32;
	[bflag:$0x2] =	sbarrier.arrive $0xFFFF  }
0xcf: {  	p0 =	sne.s32 s0, $0x0;
	s0 =	rddreg [dreg:$0x5]  }
0xd0: {  	s0 =	sadd.s32 @!p0 $0x100000, s0  }
0xd1: {  	[sflag:s0] =	ssyncadd.tile.s32 @!p0 $0x1;
	_ =	shalt  }
.Lfunc_end2:
_tile_overlayer_lowered:
.L_overlay_start_2:
0xd2: {  	(tag) =	ssettag $0x2  }
0xd3: {  	s0 =	rddreg [dreg:$0x0];
	s2 =	stileid.u32  }
0xd4: {  	s1 =	rddreg [dreg:$0x1];
	p0 =	sne.s32 s2, $0x0  }
0xd5: {  	s3 =	rddreg [dreg:$0x2];
	[bflag:$0x3] =	sbarrier.arrive $0xFFFF;
	s2 =	simm.s32 @!p0 $0x1C02  }
0xd6: {  	[timem:s3], [sflag:s2] =	dma.local @!p0 [hbm:s0], s1  }
0xd7: {  	s0 =	simm.s32 @!p0 $0x2  }
0xd8: {  	_ =	swait.ge @!p0 [sflag:s0], s1  }
0xd9: {  	s1 =	ssub.s32 @!p0 $0x0, s1;
	[sflag:s0] =	ssyncset.done @!p0 $0x0  }
0xda: {  	[sflag:s0] =	ssyncadd.s32 @!p0 s1  }
0xdb: {  	[bflag:$0x3] =	sbarrier.arrive $0xFFFF  }
0xdc: {  	_ =	shalt  }

</sc_bundles>
